<compile_context>
chip_gen: v7x
topology: tpu7x:2x2x1
jax: 0.10.2.dev20260603
libtpu: 0.0.44.dev20260713+nightly
codegen_flags: <defaults>
</compile_context>

<pallas_src>
import jax
import jax.numpy as jnp
from jax import lax
from jax.experimental import pallas as pl
from jax.experimental.pallas import tpu as pltpu
from jax.experimental.pallas import tpu_sc as plsc

_B = 128
_R = 768
_C = 256
_BB = 4
_LO = 64
_HI = _B - _LO


def _gather_body(ts_hbm, ta_hbm, tb_hbm, a_out, c_out, idx_v, val_v, sem):
    wid = lax.axis_index("s") * 2 + lax.axis_index("c")

    @pl.when(wid == 0)
    def _():
        pltpu.sync_copy(ts_hbm, idx_v)
        pltpu.async_copy(ta_hbm.at[idx_v], val_v, sem).wait()
        pltpu.sync_copy(val_v, a_out)

    @pl.when(wid == 1)
    def _():
        pltpu.sync_copy(ts_hbm, idx_v)
        pltpu.async_copy(tb_hbm.at[idx_v], val_v, sem).wait()
        pltpu.sync_copy(val_v, c_out)


def _fma_lo_body(ts_ref, ta_ref, tb_ref, o_ref, n_ref, out_ref):
    i = pl.program_id(0)
    for j in range(_BB):
        t = ts_ref[i * _BB + j]
        a = ta_ref[t]
        c = tb_ref[t]
        out_ref[j] = a * o_ref[j] + c * n_ref[j]


def _fma_hi_body(a_ref, c_ref, prev_ref, o_ref, n_ref, out_ref):
    i = pl.program_id(0)
    for j in range(_BB):
        a = a_ref[_LO + i * _BB + j]
        c = c_ref[_LO + i * _BB + j]
        out_ref[j] = a * o_ref[j] + c * n_ref[j]


def kernel(original_samples, noise, timesteps, sqrt_alphas_cumprod,
           sqrt_one_minus_alphas_cumprod):
    orig = original_samples.reshape(_B, _R, _C)
    nz = noise.reshape(_B, _R, _C)
    ts = timesteps.astype(jnp.int32)

    mesh = plsc.VectorSubcoreMesh(core_axis_name="c", subcore_axis_name="s")
    a_hi, c_hi = pl.kernel(
        _gather_body,
        mesh=mesh,
        out_type=[
            jax.ShapeDtypeStruct((_B,), jnp.float32),
            jax.ShapeDtypeStruct((_B,), jnp.float32),
        ],
        scratch_types=[
            pltpu.VMEM((_B,), jnp.int32),
            pltpu.VMEM((_B,), jnp.float32),
            pltpu.SemaphoreType.DMA,
        ],
    )(ts, sqrt_alphas_cumprod, sqrt_one_minus_alphas_cumprod)

    lo_spec = pltpu.PrefetchScalarGridSpec(
        num_scalar_prefetch=3,
        grid=(_LO // _BB,),
        in_specs=[
            pl.BlockSpec((_BB, _R, _C), lambda i, *_: (i, 0, 0)),
            pl.BlockSpec((_BB, _R, _C), lambda i, *_: (i, 0, 0)),
        ],
        out_specs=pl.BlockSpec((_BB, _R, _C), lambda i, *_: (i, 0, 0)),
    )
    out_lo = pl.pallas_call(
        _fma_lo_body,
        grid_spec=lo_spec,
        out_shape=jax.ShapeDtypeStruct((_B, _R, _C), jnp.float32),
        compiler_params=pltpu.CompilerParams(
            dimension_semantics=("arbitrary",)),
    )(ts, sqrt_alphas_cumprod, sqrt_one_minus_alphas_cumprod,
      orig, nz)

    hi_spec = pltpu.PrefetchScalarGridSpec(
        num_scalar_prefetch=2,
        grid=(_HI // _BB,),
        in_specs=[
            pl.BlockSpec(memory_space=pl.ANY),
            pl.BlockSpec((_BB, _R, _C), lambda i, *_: (i + _LO // _BB, 0, 0)),
            pl.BlockSpec((_BB, _R, _C), lambda i, *_: (i + _LO // _BB, 0, 0)),
        ],
        out_specs=pl.BlockSpec((_BB, _R, _C), lambda i, *_: (i + _LO // _BB, 0, 0)),
    )
    out = pl.pallas_call(
        _fma_hi_body,
        grid_spec=hi_spec,
        out_shape=jax.ShapeDtypeStruct((_B, _R, _C), jnp.float32),
        input_output_aliases={2: 0},
        compiler_params=pltpu.CompilerParams(
            dimension_semantics=("arbitrary",)),
    )(a_hi, c_hi, out_lo, orig, nz)

    return out.reshape(original_samples.shape)

# --- scband reference (transcript-rebuilt; emitter-appended) ---
"""Pipeline reference for scband-ddpmscheduler-39367670235971 (READ-ONLY COPY).

The authoritative reference and input builder live on the scoring server;
editing this copy changes nothing except your own understanding.
"""

import jax, jax.numpy as jnp
import numpy as np

NUM_TRAIN_TIMESTEPS = 1000
BETA_START = 0.0001
BETA_END = 0.02


def _make_tables():
    betas = jnp.linspace(BETA_START, BETA_END, NUM_TRAIN_TIMESTEPS, dtype=jnp.float32)
    alphas = 1.0 - betas
    alphas_cumprod = jnp.cumprod(alphas, axis=0)
    sqrt_alphas_cumprod = jnp.sqrt(alphas_cumprod)
    sqrt_one_minus_alphas_cumprod = jnp.sqrt(1.0 - alphas_cumprod)
    return sqrt_alphas_cumprod, sqrt_one_minus_alphas_cumprod


def setup_inputs(seed: int = 0) -> dict:
    key = jax.random.key(seed)
    k1, k2, k3 = jax.random.split(key, 3)
    original_samples = jax.random.normal(k1, (128, 3, 256, 256), dtype=jnp.float32)
    noise = jax.random.normal(k2, (128, 3, 256, 256), dtype=jnp.float32)
    timesteps = jax.random.randint(k3, (128,), 0, NUM_TRAIN_TIMESTEPS, dtype=jnp.int64 if jax.config.read('jax_enable_x64') else jnp.int32)
    sqrt_alphas_cumprod, sqrt_one_minus_alphas_cumprod = _make_tables()
    return {
        'original_samples': original_samples,
        'noise': noise,
        'timesteps': timesteps,
        'sqrt_alphas_cumprod': sqrt_alphas_cumprod,
        'sqrt_one_minus_alphas_cumprod': sqrt_one_minus_alphas_cumprod,
    }


def reference(original_samples, noise, timesteps, sqrt_alphas_cumprod, sqrt_one_minus_alphas_cumprod):
    # embedding-style lookup into the schedule tables by timestep index
    sqrt_alpha_prod = jnp.take(sqrt_alphas_cumprod, timesteps, axis=0)
    sqrt_one_minus_alpha_prod = jnp.take(sqrt_one_minus_alphas_cumprod, timesteps, axis=0)
    # broadcast: unsqueeze trailing dims to match original_samples rank
    extra = original_samples.ndim - sqrt_alpha_prod.ndim
    sqrt_alpha_prod = sqrt_alpha_prod.reshape(sqrt_alpha_prod.shape + (1,) * extra)
    sqrt_one_minus_alpha_prod = sqrt_one_minus_alpha_prod.reshape(sqrt_one_minus_alpha_prod.shape + (1,) * extra)
    noisy_samples = sqrt_alpha_prod * original_samples + sqrt_one_minus_alpha_prod * noise
    return noisy_samples

if __name__ == "__main__":
    import jax
    _d = setup_inputs()
    print(jax.jit(kernel)(*tuple(_d.values())))

</pallas_src>

<mosaic_0001>
#map = affine_map<(d0, d1) -> (0)>
module attributes {stable_mosaic.version = 14 : i64} {
  func.func @_gather_body(%arg0: i32, %arg1: i32, %arg2: memref<128xi32, #tpu.memory_space<hbm>>, %arg3: memref<1000xf32, #tpu.memory_space<hbm>>, %arg4: memref<1000xf32, #tpu.memory_space<hbm>>, %arg5: memref<128xf32, #tpu.memory_space<hbm>>, %arg6: memref<128xf32, #tpu.memory_space<hbm>>, %arg7: memref<128xi32, #tpu.memory_space<vmem>>, %arg8: memref<128xf32, #tpu.memory_space<vmem>>, %arg9: memref<!tpu.dma_semaphore, #tpu.memory_space<semaphore_mem>>) attributes {dimension_semantics = [#tpu.dimension_semantics<core_parallel>, #tpu.dimension_semantics<subcore_parallel>], iteration_bounds = array<i64: 2, 16>, scalar_prefetch = 0 : i64, scratch_operands = 3 : i64, tpu.core_type = #tpu.core_type<sc_vector_subcore>, window_params = [{transform_indices = #map}, {transform_indices = #map}, {transform_indices = #map}, {transform_indices = #map}, {transform_indices = #map}]} {
    %mul3A = arith.constant 2 : i32
    %mul3A_0 = arith.muli %arg1, %mul3A : i32
    %add3A = arith.addi %mul3A_0, %arg0 : i32
    %eq3A = arith.constant 0 : i32
    %eq3A_1 = arith.cmpi eq, %add3A, %eq3A : i32
    %convert_element_type3A = arith.extui %eq3A_1 : i1 to i32
    %cond3A = arith.constant 0 : i32
    %cond3A_2 = arith.cmpi ne, %convert_element_type3A, %cond3A : i32
    scf.if %cond3A_2 {
      "tpu.region"() ({
        %run_scoped3A = tpu.sem_alloc : memref<!tpu.dma_semaphore, #tpu.memory_space<semaphore_mem>>
        tpu.enqueue_dma source(%arg2 : memref<128xi32, #tpu.memory_space<hbm>>) target(%arg7 : memref<128xi32, #tpu.memory_space<vmem>>) target_semaphore(%run_scoped3A : memref<!tpu.dma_semaphore, #tpu.memory_space<semaphore_mem>>)
        tpu.wait_dma2 semaphore(%run_scoped3A : memref<!tpu.dma_semaphore, #tpu.memory_space<semaphore_mem>>) src(%arg2 : memref<128xi32, #tpu.memory_space<hbm>>) dst(%arg7 : memref<128xi32, #tpu.memory_space<vmem>>)
        tpu.yield
      }) : () -> ()
      %dma_start3A = arith.constant 0 : i32
      %dma_start3A_8 = tpu.memref_slice %arg3[%dma_start3A] : memref<1000xf32, #tpu.memory_space<hbm>> -> memref<1000xf32, #tpu.memory_space<hbm>>
      tpu.enqueue_indirect_dma source(%dma_start3A_8 : memref<1000xf32, #tpu.memory_space<hbm>>) target(%arg8 : memref<128xf32, #tpu.memory_space<vmem>>) offsets(%arg7 : memref<128xi32, #tpu.memory_space<vmem>>) semaphore(%arg9 : memref<!tpu.dma_semaphore, #tpu.memory_space<semaphore_mem>>)
      %dma_wait3A = arith.constant 0 : i32
      %dma_wait3A_9 = tpu.memref_slice %arg3[%dma_wait3A] : memref<1000xf32, #tpu.memory_space<hbm>> -> memref<1000xf32, #tpu.memory_space<hbm>>
      tpu.wait_indirect_dma semaphore(%arg9 : memref<!tpu.dma_semaphore, #tpu.memory_space<semaphore_mem>>) src(%dma_wait3A_9 : memref<1000xf32, #tpu.memory_space<hbm>>) dst(%arg8 : memref<128xf32, #tpu.memory_space<vmem>>)
      "tpu.region"() ({
        %run_scoped3A = tpu.sem_alloc : memref<!tpu.dma_semaphore, #tpu.memory_space<semaphore_mem>>
        tpu.enqueue_dma source(%arg8 : memref<128xf32, #tpu.memory_space<vmem>>) target(%arg5 : memref<128xf32, #tpu.memory_space<hbm>>) target_semaphore(%run_scoped3A : memref<!tpu.dma_semaphore, #tpu.memory_space<semaphore_mem>>)
        tpu.wait_dma2 semaphore(%run_scoped3A : memref<!tpu.dma_semaphore, #tpu.memory_space<semaphore_mem>>) src(%arg8 : memref<128xf32, #tpu.memory_space<vmem>>) dst(%arg5 : memref<128xf32, #tpu.memory_space<hbm>>)
        tpu.yield
      }) : () -> ()
    } else {
    }
    %eq3A_3 = arith.constant 1 : i32
    %eq3A_4 = arith.cmpi eq, %add3A, %eq3A_3 : i32
    %convert_element_type3A_5 = arith.extui %eq3A_4 : i1 to i32
    %cond3A_6 = arith.constant 0 : i32
    %cond3A_7 = arith.cmpi ne, %convert_element_type3A_5, %cond3A_6 : i32
    scf.if %cond3A_7 {
      "tpu.region"() ({
        %run_scoped3A = tpu.sem_alloc : memref<!tpu.dma_semaphore, #tpu.memory_space<semaphore_mem>>
        tpu.enqueue_dma source(%arg2 : memref<128xi32, #tpu.memory_space<hbm>>) target(%arg7 : memref<128xi32, #tpu.memory_space<vmem>>) target_semaphore(%run_scoped3A : memref<!tpu.dma_semaphore, #tpu.memory_space<semaphore_mem>>)
        tpu.wait_dma2 semaphore(%run_scoped3A : memref<!tpu.dma_semaphore, #tpu.memory_space<semaphore_mem>>) src(%arg2 : memref<128xi32, #tpu.memory_space<hbm>>) dst(%arg7 : memref<128xi32, #tpu.memory_space<vmem>>)
        tpu.yield
      }) : () -> ()
      %dma_start3A = arith.constant 0 : i32
      %dma_start3A_8 = tpu.memref_slice %arg4[%dma_start3A] : memref<1000xf32, #tpu.memory_space<hbm>> -> memref<1000xf32, #tpu.memory_space<hbm>>
      tpu.enqueue_indirect_dma source(%dma_start3A_8 : memref<1000xf32, #tpu.memory_space<hbm>>) target(%arg8 : memref<128xf32, #tpu.memory_space<vmem>>) offsets(%arg7 : memref<128xi32, #tpu.memory_space<vmem>>) semaphore(%arg9 : memref<!tpu.dma_semaphore, #tpu.memory_space<semaphore_mem>>)
      %dma_wait3A = arith.constant 0 : i32
      %dma_wait3A_9 = tpu.memref_slice %arg4[%dma_wait3A] : memref<1000xf32, #tpu.memory_space<hbm>> -> memref<1000xf32, #tpu.memory_space<hbm>>
      tpu.wait_indirect_dma semaphore(%arg9 : memref<!tpu.dma_semaphore, #tpu.memory_space<semaphore_mem>>) src(%dma_wait3A_9 : memref<1000xf32, #tpu.memory_space<hbm>>) dst(%arg8 : memref<128xf32, #tpu.memory_space<vmem>>)
      "tpu.region"() ({
        %run_scoped3A = tpu.sem_alloc : memref<!tpu.dma_semaphore, #tpu.memory_space<semaphore_mem>>
        tpu.enqueue_dma source(%arg8 : memref<128xf32, #tpu.memory_space<vmem>>) target(%arg6 : memref<128xf32, #tpu.memory_space<hbm>>) target_semaphore(%run_scoped3A : memref<!tpu.dma_semaphore, #tpu.memory_space<semaphore_mem>>)
        tpu.wait_dma2 semaphore(%run_scoped3A : memref<!tpu.dma_semaphore, #tpu.memory_space<semaphore_mem>>) src(%arg8 : memref<128xf32, #tpu.memory_space<vmem>>) dst(%arg6 : memref<128xf32, #tpu.memory_space<hbm>>)
        tpu.yield
      }) : () -> ()
    } else {
    }
    return
  }
}

module attributes {stable_mosaic.version = 14 : i64} {
  func.func @_fma_lo_body(%arg0: i32, %arg1: memref<128xi32, #tpu.memory_space<smem>>, %arg2: memref<1000xf32, #tpu.memory_space<smem>>, %arg3: memref<1000xf32, #tpu.memory_space<smem>>, %arg4: memref<4x768x256xf32, #tpu.memory_space<vmem>>, %arg5: memref<4x768x256xf32, #tpu.memory_space<vmem>>, %arg6: memref<4x768x256xf32, #tpu.memory_space<vmem>>) attributes {dimension_semantics = [#tpu.dimension_semantics<arbitrary>], iteration_bounds = array<i64: 16>, scalar_prefetch = 3 : i64, scratch_operands = 0 : i64, tpu.core_type = #tpu.core_type<tc>, window_params = [{transform_indices = @transform_0, window_bounds = array<i64: 4, 768, 256>}, {transform_indices = @transform_1, window_bounds = array<i64: 4, 768, 256>}, {transform_indices = @transform_2, window_bounds = array<i64: 4, 768, 256>}]} {
    %mul3A = arith.constant 4 : i32
    %mul3A_0 = arith.muli %arg0, %mul3A : i32
    %add3A = arith.constant 0 : i32
    %add3A_1 = arith.addi %mul3A_0, %add3A : i32
    %get3A = arith.index_cast %add3A_1 : i32 to index
    %get3A_2 = memref.load %arg1[%get3A] : memref<128xi32, #tpu.memory_space<smem>>
    %get3A_3 = arith.index_cast %get3A_2 : i32 to index
    %get3A_4 = memref.load %arg2[%get3A_3] : memref<1000xf32, #tpu.memory_space<smem>>
    %get3A_5 = arith.index_cast %get3A_2 : i32 to index
    %get3A_6 = memref.load %arg3[%get3A_5] : memref<1000xf32, #tpu.memory_space<smem>>
    %get3A_7 = arith.constant 0 : index
    %get3A_8 = arith.constant 0 : index
    %get3A_9 = arith.constant 0 : index
    %get3A_10 = vector.load %arg4[%get3A_7, %get3A_8, %get3A_9] : memref<4x768x256xf32, #tpu.memory_space<vmem>>, vector<1x768x256xf32>
    %get3A_11 = vector.shape_cast %get3A_10 : vector<1x768x256xf32> to vector<768x256xf32>
    %mul3A_12 = vector.broadcast %get3A_4 : f32 to vector<768x256xf32>
    %mul3A_13 = arith.mulf %mul3A_12, %get3A_11 : vector<768x256xf32>
    %get3A_14 = arith.constant 0 : index
    %get3A_15 = arith.constant 0 : index
    %get3A_16 = arith.constant 0 : index
    %get3A_17 = vector.load %arg5[%get3A_14, %get3A_15, %get3A_16] : memref<4x768x256xf32, #tpu.memory_space<vmem>>, vector<1x768x256xf32>
    %get3A_18 = vector.shape_cast %get3A_17 : vector<1x768x256xf32> to vector<768x256xf32>
    %mul3A_19 = vector.broadcast %get3A_6 : f32 to vector<768x256xf32>
    %mul3A_20 = arith.mulf %mul3A_19, %get3A_18 : vector<768x256xf32>
    %add3A_21 = arith.addf %mul3A_13, %mul3A_20 : vector<768x256xf32>
    %swap3A = arith.constant 0 : index
    %swap3A_22 = arith.constant 0 : index
    %swap3A_23 = arith.constant 0 : index
    %swap3A_24 = vector.load %arg6[%swap3A, %swap3A_22, %swap3A_23] : memref<4x768x256xf32, #tpu.memory_space<vmem>>, vector<1x768x256xf32>
    %swap3A_25 = vector.shape_cast %swap3A_24 : vector<1x768x256xf32> to vector<768x256xf32>
    %swap3A_26 = vector.shape_cast %add3A_21 : vector<768x256xf32> to vector<1x768x256xf32>
    tpu.vector_store %arg6[%swap3A, %swap3A_22, %swap3A_23], %swap3A_26 {strides = array<i32>} : memref<4x768x256xf32, #tpu.memory_space<vmem>>, vector<1x768x256xf32>,
    %mul3A_27 = arith.constant 4 : i32
    %mul3A_28 = arith.muli %arg0, %mul3A_27 : i32
    %add3A_29 = arith.constant 1 : i32
    %add3A_30 = arith.addi %mul3A_28, %add3A_29 : i32
    %get3A_31 = arith.index_cast %add3A_30 : i32 to index
    %get3A_32 = memref.load %arg1[%get3A_31] : memref<128xi32, #tpu.memory_space<smem>>
    %get3A_33 = arith.index_cast %get3A_32 : i32 to index
    %get3A_34 = memref.load %arg2[%get3A_33] : memref<1000xf32, #tpu.memory_space<smem>>
    %get3A_35 = arith.index_cast %get3A_32 : i32 to index
    %get3A_36 = memref.load %arg3[%get3A_35] : memref<1000xf32, #tpu.memory_space<smem>>
    %get3A_37 = arith.constant 1 : index
    %get3A_38 = arith.constant 0 : index
    %get3A_39 = arith.constant 0 : index
    %get3A_40 = vector.load %arg4[%get3A_37, %get3A_38, %get3A_39] : memref<4x768x256xf32, #tpu.memory_space<vmem>>, vector<1x768x256xf32>
    %get3A_41 = vector.shape_cast %get3A_40 : vector<1x768x256xf32> to vector<768x256xf32>
    %mul3A_42 = vector.broadcast %get3A_34 : f32 to vector<768x256xf32>
    %mul3A_43 = arith.mulf %mul3A_42, %get3A_41 : vector<768x256xf32>
    %get3A_44 = arith.constant 1 : index
    %get3A_45 = arith.constant 0 : index
    %get3A_46 = arith.constant 0 : index
    %get3A_47 = vector.load %arg5[%get3A_44, %get3A_45, %get3A_46] : memref<4x768x256xf32, #tpu.memory_space<vmem>>, vector<1x768x256xf32>
    %get3A_48 = vector.shape_cast %get3A_47 : vector<1x768x256xf32> to vector<768x256xf32>
    %mul3A_49 = vector.broadcast %get3A_36 : f32 to vector<768x256xf32>
    %mul3A_50 = arith.mulf %mul3A_49, %get3A_48 : vector<768x256xf32>
    %add3A_51 = arith.addf %mul3A_43, %mul3A_50 : vector<768x256xf32>
    %swap3A_52 = arith.constant 1 : index
    %swap3A_53 = arith.constant 0 : index
    %swap3A_54 = arith.constant 0 : index
    %swap3A_55 = vector.load %arg6[%swap3A_52, %swap3A_53, %swap3A_54] : memref<4x768x256xf32, #tpu.memory_space<vmem>>, vector<1x768x256xf32>
    %swap3A_56 = vector.shape_cast %swap3A_55 : vector<1x768x256xf32> to vector<768x256xf32>
    %swap3A_57 = vector.shape_cast %add3A_51 : vector<768x256xf32> to vector<1x768x256xf32>
    tpu.vector_store %arg6[%swap3A_52, %swap3A_53, %swap3A_54], %swap3A_57 {strides = array<i32>} : memref<4x768x256xf32, #tpu.memory_space<vmem>>, vector<1x768x256xf32>,
    %mul3A_58 = arith.constant 4 : i32
    %mul3A_59 = arith.muli %arg0, %mul3A_58 : i32
    %add3A_60 = arith.constant 2 : i32
    %add3A_61 = arith.addi %mul3A_59, %add3A_60 : i32
    %get3A_62 = arith.index_cast %add3A_61 : i32 to index
    %get3A_63 = memref.load %arg1[%get3A_62] : memref<128xi32, #tpu.memory_space<smem>>
    %get3A_64 = arith.index_cast %get3A_63 : i32 to index
    %get3A_65 = memref.load %arg2[%get3A_64] : memref<1000xf32, #tpu.memory_space<smem>>
    %get3A_66 = arith.index_cast %get3A_63 : i32 to index
    %get3A_67 = memref.load %arg3[%get3A_66] : memref<1000xf32, #tpu.memory_space<smem>>
    %get3A_68 = arith.constant 2 : index
    %get3A_69 = arith.constant 0 : index
    %get3A_70 = arith.constant 0 : index
    %get3A_71 = vector.load %arg4[%get3A_68, %get3A_69, %get3A_70] : memref<4x768x256xf32, #tpu.memory_space<vmem>>, vector<1x768x256xf32>
    %get3A_72 = vector.shape_cast %get3A_71 : vector<1x768x256xf32> to vector<768x256xf32>
    %mul3A_73 = vector.broadcast %get3A_65 : f32 to vector<768x256xf32>
    %mul3A_74 = arith.mulf %mul3A_73, %get3A_72 : vector<768x256xf32>
    %get3A_75 = arith.constant 2 : index
    %get3A_76 = arith.constant 0 : index
    %get3A_77 = arith.constant 0 : index
    %get3A_78 = vector.load %arg5[%get3A_75, %get3A_76, %get3A_77] : memref<4x768x256xf32, #tpu.memory_space<vmem>>, vector<1x768x256xf32>
    %get3A_79 = vector.shape_cast %get3A_78 : vector<1x768x256xf32> to vector<768x256xf32>
    %mul3A_80 = vector.broadcast %get3A_67 : f32 to vector<768x256xf32>
    %mul3A_81 = arith.mulf %mul3A_80, %get3A_79 : vector<768x256xf32>
    %add3A_82 = arith.addf %mul3A_74, %mul3A_81 : vector<768x256xf32>
    %swap3A_83 = arith.constant 2 : index
    %swap3A_84 = arith.constant 0 : index
    %swap3A_85 = arith.constant 0 : index
    %swap3A_86 = vector.load %arg6[%swap3A_83, %swap3A_84, %swap3A_85] : memref<4x768x256xf32, #tpu.memory_space<vmem>>, vector<1x768x256xf32>
    %swap3A_87 = vector.shape_cast %swap3A_86 : vector<1x768x256xf32> to vector<768x256xf32>
    %swap3A_88 = vector.shape_cast %add3A_82 : vector<768x256xf32> to vector<1x768x256xf32>
    tpu.vector_store %arg6[%swap3A_83, %swap3A_84, %swap3A_85], %swap3A_88 {strides = array<i32>} : memref<4x768x256xf32, #tpu.memory_space<vmem>>, vector<1x768x256xf32>,
    %mul3A_89 = arith.constant 4 : i32
    %mul3A_90 = arith.muli %arg0, %mul3A_89 : i32
    %add3A_91 = arith.constant 3 : i32
    %add3A_92 = arith.addi %mul3A_90, %add3A_91 : i32
    %get3A_93 = arith.index_cast %add3A_92 : i32 to index
    %get3A_94 = memref.load %arg1[%get3A_93] : memref<128xi32, #tpu.memory_space<smem>>
    %get3A_95 = arith.index_cast %get3A_94 : i32 to index
    %get3A_96 = memref.load %arg2[%get3A_95] : memref<1000xf32, #tpu.memory_space<smem>>
    %get3A_97 = arith.index_cast %get3A_94 : i32 to index
    %get3A_98 = memref.load %arg3[%get3A_97] : memref<1000xf32, #tpu.memory_space<smem>>
    %get3A_99 = arith.constant 3 : index
    %get3A_100 = arith.constant 0 : index
    %get3A_101 = arith.constant 0 : index
    %get3A_102 = vector.load %arg4[%get3A_99, %get3A_100, %get3A_101] : memref<4x768x256xf32, #tpu.memory_space<vmem>>, vector<1x768x256xf32>
    %get3A_103 = vector.shape_cast %get3A_102 : vector<1x768x256xf32> to vector<768x256xf32>
    %mul3A_104 = vector.broadcast %get3A_96 : f32 to vector<768x256xf32>
    %mul3A_105 = arith.mulf %mul3A_104, %get3A_103 : vector<768x256xf32>
    %get3A_106 = arith.constant 3 : index
    %get3A_107 = arith.constant 0 : index
    %get3A_108 = arith.constant 0 : index
    %get3A_109 = vector.load %arg5[%get3A_106, %get3A_107, %get3A_108] : memref<4x768x256xf32, #tpu.memory_space<vmem>>, vector<1x768x256xf32>
    %get3A_110 = vector.shape_cast %get3A_109 : vector<1x768x256xf32> to vector<768x256xf32>
    %mul3A_111 = vector.broadcast %get3A_98 : f32 to vector<768x256xf32>
    %mul3A_112 = arith.mulf %mul3A_111, %get3A_110 : vector<768x256xf32>
    %add3A_113 = arith.addf %mul3A_105, %mul3A_112 : vector<768x256xf32>
    %swap3A_114 = arith.constant 3 : index
    %swap3A_115 = arith.constant 0 : index
    %swap3A_116 = arith.constant 0 : index
    %swap3A_117 = vector.load %arg6[%swap3A_114, %swap3A_115, %swap3A_116] : memref<4x768x256xf32, #tpu.memory_space<vmem>>, vector<1x768x256xf32>
    %swap3A_118 = vector.shape_cast %swap3A_117 : vector<1x768x256xf32> to vector<768x256xf32>
    %swap3A_119 = vector.shape_cast %add3A_113 : vector<768x256xf32> to vector<1x768x256xf32>
    tpu.vector_store %arg6[%swap3A_114, %swap3A_115, %swap3A_116], %swap3A_119 {strides = array<i32>} : memref<4x768x256xf32, #tpu.memory_space<vmem>>, vector<1x768x256xf32>,
    return
  }
  func.func @transform_0(%arg0: i32, %arg1: memref<128xi32, #tpu.memory_space<smem>>, %arg2: memref<1000xf32, #tpu.memory_space<smem>>, %arg3: memref<1000xf32, #tpu.memory_space<smem>>) -> (i32, i32, i32) {
    %c0_i32 = arith.constant 0 : i32
    %c0_i32_0 = arith.constant 0 : i32
    %c0_i32_1 = arith.constant 0 : i32
    return %arg0, %c0_i32, %c0_i32_0 : i32, i32, i32
  }
  func.func @transform_1(%arg0: i32, %arg1: memref<128xi32, #tpu.memory_space<smem>>, %arg2: memref<1000xf32, #tpu.memory_space<smem>>, %arg3: memref<1000xf32, #tpu.memory_space<smem>>) -> (i32, i32, i32) {
    %c0_i32 = arith.constant 0 : i32
    %c0_i32_0 = arith.constant 0 : i32
    %c0_i32_1 = arith.constant 0 : i32
    return %arg0, %c0_i32, %c0_i32_0 : i32, i32, i32
  }
  func.func @transform_2(%arg0: i32, %arg1: memref<128xi32, #tpu.memory_space<smem>>, %arg2: memref<1000xf32, #tpu.memory_space<smem>>, %arg3: memref<1000xf32, #tpu.memory_space<smem>>) -> (i32, i32, i32) {
    %c0_i32 = arith.constant 0 : i32
    %c0_i32_0 = arith.constant 0 : i32
    %c0_i32_1 = arith.constant 0 : i32
    return %arg0, %c0_i32, %c0_i32_0 : i32, i32, i32
  }
}

module attributes {stable_mosaic.version = 14 : i64} {
  func.func @_fma_hi_body(%arg0: i32, %arg1: memref<128xf32, #tpu.memory_space<smem>>, %arg2: memref<128xf32, #tpu.memory_space<smem>>, %arg3: memref<128x768x256xf32, #tpu.memory_space<any>>, %arg4: memref<4x768x256xf32, #tpu.memory_space<vmem>>, %arg5: memref<4x768x256xf32, #tpu.memory_space<vmem>>, %arg6: memref<4x768x256xf32, #tpu.memory_space<vmem>>) attributes {dimension_semantics = [#tpu.dimension_semantics<arbitrary>], iteration_bounds = array<i64: 16>, scalar_prefetch = 2 : i64, scratch_operands = 0 : i64, tpu.core_type = #tpu.core_type<tc>, window_params = [{}, {transform_indices = @transform_1, window_bounds = array<i64: 4, 768, 256>}, {transform_indices = @transform_2, window_bounds = array<i64: 4, 768, 256>}, {transform_indices = @transform_3, window_bounds = array<i64: 4, 768, 256>}]} {
    %mul3A = arith.constant 4 : i32
    %mul3A_0 = arith.muli %arg0, %mul3A : i32
    %add3A = arith.constant 64 : i32
    %add3A_1 = arith.addi %add3A, %mul3A_0 : i32
    %add3A_2 = arith.constant 0 : i32
    %add3A_3 = arith.addi %add3A_1, %add3A_2 : i32
    %get3A = arith.index_cast %add3A_3 : i32 to index
    %get3A_4 = memref.load %arg1[%get3A] : memref<128xf32, #tpu.memory_space<smem>>
    %mul3A_5 = arith.constant 4 : i32
    %mul3A_6 = arith.muli %arg0, %mul3A_5 : i32
    %add3A_7 = arith.constant 64 : i32
    %add3A_8 = arith.addi %add3A_7, %mul3A_6 : i32
    %add3A_9 = arith.constant 0 : i32
    %add3A_10 = arith.addi %add3A_8, %add3A_9 : i32
    %get3A_11 = arith.index_cast %add3A_10 : i32 to index
    %get3A_12 = memref.load %arg2[%get3A_11] : memref<128xf32, #tpu.memory_space<smem>>
    %get3A_13 = arith.constant 0 : index
    %get3A_14 = arith.constant 0 : index
    %get3A_15 = arith.constant 0 : index
    %get3A_16 = vector.load %arg4[%get3A_13, %get3A_14, %get3A_15] : memref<4x768x256xf32, #tpu.memory_space<vmem>>, vector<1x768x256xf32>
    %get3A_17 = vector.shape_cast %get3A_16 : vector<1x768x256xf32> to vector<768x256xf32>
    %mul3A_18 = vector.broadcast %get3A_4 : f32 to vector<768x256xf32>
    %mul3A_19 = arith.mulf %mul3A_18, %get3A_17 : vector<768x256xf32>
    %get3A_20 = arith.constant 0 : index
    %get3A_21 = arith.constant 0 : index
    %get3A_22 = arith.constant 0 : index
    %get3A_23 = vector.load %arg5[%get3A_20, %get3A_21, %get3A_22] : memref<4x768x256xf32, #tpu.memory_space<vmem>>, vector<1x768x256xf32>
    %get3A_24 = vector.shape_cast %get3A_23 : vector<1x768x256xf32> to vector<768x256xf32>
    %mul3A_25 = vector.broadcast %get3A_12 : f32 to vector<768x256xf32>
    %mul3A_26 = arith.mulf %mul3A_25, %get3A_24 : vector<768x256xf32>
    %add3A_27 = arith.addf %mul3A_19, %mul3A_26 : vector<768x256xf32>
    %swap3A = arith.constant 0 : index
    %swap3A_28 = arith.constant 0 : index
    %swap3A_29 = arith.constant 0 : index
    %swap3A_30 = vector.load %arg6[%swap3A, %swap3A_28, %swap3A_29] : memref<4x768x256xf32, #tpu.memory_space<vmem>>, vector<1x768x256xf32>
    %swap3A_31 = vector.shape_cast %swap3A_30 : vector<1x768x256xf32> to vector<768x256xf32>
    %swap3A_32 = vector.shape_cast %add3A_27 : vector<768x256xf32> to vector<1x768x256xf32>
    tpu.vector_store %arg6[%swap3A, %swap3A_28, %swap3A_29], %swap3A_32 {strides = array<i32>} : memref<4x768x256xf32, #tpu.memory_space<vmem>>, vector<1x768x256xf32>,
    %mul3A_33 = arith.constant 4 : i32
    %mul3A_34 = arith.muli %arg0, %mul3A_33 : i32
    %add3A_35 = arith.constant 64 : i32
    %add3A_36 = arith.addi %add3A_35, %mul3A_34 : i32
    %add3A_37 = arith.constant 1 : i32
    %add3A_38 = arith.addi %add3A_36, %add3A_37 : i32
    %get3A_39 = arith.index_cast %add3A_38 : i32 to index
    %get3A_40 = memref.load %arg1[%get3A_39] : memref<128xf32, #tpu.memory_space<smem>>
    %mul3A_41 = arith.constant 4 : i32
    %mul3A_42 = arith.muli %arg0, %mul3A_41 : i32
    %add3A_43 = arith.constant 64 : i32
    %add3A_44 = arith.addi %add3A_43, %mul3A_42 : i32
    %add3A_45 = arith.constant 1 : i32
    %add3A_46 = arith.addi %add3A_44, %add3A_45 : i32
    %get3A_47 = arith.index_cast %add3A_46 : i32 to index
    %get3A_48 = memref.load %arg2[%get3A_47] : memref<128xf32, #tpu.memory_space<smem>>
    %get3A_49 = arith.constant 1 : index
    %get3A_50 = arith.constant 0 : index
    %get3A_51 = arith.constant 0 : index
    %get3A_52 = vector.load %arg4[%get3A_49, %get3A_50, %get3A_51] : memref<4x768x256xf32, #tpu.memory_space<vmem>>, vector<1x768x256xf32>
    %get3A_53 = vector.shape_cast %get3A_52 : vector<1x768x256xf32> to vector<768x256xf32>
    %mul3A_54 = vector.broadcast %get3A_40 : f32 to vector<768x256xf32>
    %mul3A_55 = arith.mulf %mul3A_54, %get3A_53 : vector<768x256xf32>
    %get3A_56 = arith.constant 1 : index
    %get3A_57 = arith.constant 0 : index
    %get3A_58 = arith.constant 0 : index
    %get3A_59 = vector.load %arg5[%get3A_56, %get3A_57, %get3A_58] : memref<4x768x256xf32, #tpu.memory_space<vmem>>, vector<1x768x256xf32>
    %get3A_60 = vector.shape_cast %get3A_59 : vector<1x768x256xf32> to vector<768x256xf32>
    %mul3A_61 = vector.broadcast %get3A_48 : f32 to vector<768x256xf32>
    %mul3A_62 = arith.mulf %mul3A_61, %get3A_60 : vector<768x256xf32>
    %add3A_63 = arith.addf %mul3A_55, %mul3A_62 : vector<768x256xf32>
    %swap3A_64 = arith.constant 1 : index
    %swap3A_65 = arith.constant 0 : index
    %swap3A_66 = arith.constant 0 : index
    %swap3A_67 = vector.load %arg6[%swap3A_64, %swap3A_65, %swap3A_66] : memref<4x768x256xf32, #tpu.memory_space<vmem>>, vector<1x768x256xf32>
    %swap3A_68 = vector.shape_cast %swap3A_67 : vector<1x768x256xf32> to vector<768x256xf32>
    %swap3A_69 = vector.shape_cast %add3A_63 : vector<768x256xf32> to vector<1x768x256xf32>
    tpu.vector_store %arg6[%swap3A_64, %swap3A_65, %swap3A_66], %swap3A_69 {strides = array<i32>} : memref<4x768x256xf32, #tpu.memory_space<vmem>>, vector<1x768x256xf32>,
    %mul3A_70 = arith.constant 4 : i32
    %mul3A_71 = arith.muli %arg0, %mul3A_70 : i32
    %add3A_72 = arith.constant 64 : i32
    %add3A_73 = arith.addi %add3A_72, %mul3A_71 : i32
    %add3A_74 = arith.constant 2 : i32
    %add3A_75 = arith.addi %add3A_73, %add3A_74 : i32
    %get3A_76 = arith.index_cast %add3A_75 : i32 to index
    %get3A_77 = memref.load %arg1[%get3A_76] : memref<128xf32, #tpu.memory_space<smem>>
    %mul3A_78 = arith.constant 4 : i32
    %mul3A_79 = arith.muli %arg0, %mul3A_78 : i32
    %add3A_80 = arith.constant 64 : i32
    %add3A_81 = arith.addi %add3A_80, %mul3A_79 : i32
    %add3A_82 = arith.constant 2 : i32
    %add3A_83 = arith.addi %add3A_81, %add3A_82 : i32
    %get3A_84 = arith.index_cast %add3A_83 : i32 to index
    %get3A_85 = memref.load %arg2[%get3A_84] : memref<128xf32, #tpu.memory_space<smem>>
    %get3A_86 = arith.constant 2 : index
    %get3A_87 = arith.constant 0 : index
    %get3A_88 = arith.constant 0 : index
    %get3A_89 = vector.load %arg4[%get3A_86, %get3A_87, %get3A_88] : memref<4x768x256xf32, #tpu.memory_space<vmem>>, vector<1x768x256xf32>
    %get3A_90 = vector.shape_cast %get3A_89 : vector<1x768x256xf32> to vector<768x256xf32>
    %mul3A_91 = vector.broadcast %get3A_77 : f32 to vector<768x256xf32>
    %mul3A_92 = arith.mulf %mul3A_91, %get3A_90 : vector<768x256xf32>
    %get3A_93 = arith.constant 2 : index
    %get3A_94 = arith.constant 0 : index
    %get3A_95 = arith.constant 0 : index
    %get3A_96 = vector.load %arg5[%get3A_93, %get3A_94, %get3A_95] : memref<4x768x256xf32, #tpu.memory_space<vmem>>, vector<1x768x256xf32>
    %get3A_97 = vector.shape_cast %get3A_96 : vector<1x768x256xf32> to vector<768x256xf32>
    %mul3A_98 = vector.broadcast %get3A_85 : f32 to vector<768x256xf32>
    %mul3A_99 = arith.mulf %mul3A_98, %get3A_97 : vector<768x256xf32>
    %add3A_100 = arith.addf %mul3A_92, %mul3A_99 : vector<768x256xf32>
    %swap3A_101 = arith.constant 2 : index
    %swap3A_102 = arith.constant 0 : index
    %swap3A_103 = arith.constant 0 : index
    %swap3A_104 = vector.load %arg6[%swap3A_101, %swap3A_102, %swap3A_103] : memref<4x768x256xf32, #tpu.memory_space<vmem>>, vector<1x768x256xf32>
    %swap3A_105 = vector.shape_cast %swap3A_104 : vector<1x768x256xf32> to vector<768x256xf32>
    %swap3A_106 = vector.shape_cast %add3A_100 : vector<768x256xf32> to vector<1x768x256xf32>
    tpu.vector_store %arg6[%swap3A_101, %swap3A_102, %swap3A_103], %swap3A_106 {strides = array<i32>} : memref<4x768x256xf32, #tpu.memory_space<vmem>>, vector<1x768x256xf32>,
    %mul3A_107 = arith.constant 4 : i32
    %mul3A_108 = arith.muli %arg0, %mul3A_107 : i32
    %add3A_109 = arith.constant 64 : i32
    %add3A_110 = arith.addi %add3A_109, %mul3A_108 : i32
    %add3A_111 = arith.constant 3 : i32
    %add3A_112 = arith.addi %add3A_110, %add3A_111 : i32
    %get3A_113 = arith.index_cast %add3A_112 : i32 to index
    %get3A_114 = memref.load %arg1[%get3A_113] : memref<128xf32, #tpu.memory_space<smem>>
    %mul3A_115 = arith.constant 4 : i32
    %mul3A_116 = arith.muli %arg0, %mul3A_115 : i32
    %add3A_117 = arith.constant 64 : i32
    %add3A_118 = arith.addi %add3A_117, %mul3A_116 : i32
    %add3A_119 = arith.constant 3 : i32
    %add3A_120 = arith.addi %add3A_118, %add3A_119 : i32
    %get3A_121 = arith.index_cast %add3A_120 : i32 to index
    %get3A_122 = memref.load %arg2[%get3A_121] : memref<128xf32, #tpu.memory_space<smem>>
    %get3A_123 = arith.constant 3 : index
    %get3A_124 = arith.constant 0 : index
    %get3A_125 = arith.constant 0 : index
    %get3A_126 = vector.load %arg4[%get3A_123, %get3A_124, %get3A_125] : memref<4x768x256xf32, #tpu.memory_space<vmem>>, vector<1x768x256xf32>
    %get3A_127 = vector.shape_cast %get3A_126 : vector<1x768x256xf32> to vector<768x256xf32>
    %mul3A_128 = vector.broadcast %get3A_114 : f32 to vector<768x256xf32>
    %mul3A_129 = arith.mulf %mul3A_128, %get3A_127 : vector<768x256xf32>
    %get3A_130 = arith.constant 3 : index
    %get3A_131 = arith.constant 0 : index
    %get3A_132 = arith.constant 0 : index
    %get3A_133 = vector.load %arg5[%get3A_130, %get3A_131, %get3A_132] : memref<4x768x256xf32, #tpu.memory_space<vmem>>, vector<1x768x256xf32>
    %get3A_134 = vector.shape_cast %get3A_133 : vector<1x768x256xf32> to vector<768x256xf32>
    %mul3A_135 = vector.broadcast %get3A_122 : f32 to vector<768x256xf32>
    %mul3A_136 = arith.mulf %mul3A_135, %get3A_134 : vector<768x256xf32>
    %add3A_137 = arith.addf %mul3A_129, %mul3A_136 : vector<768x256xf32>
    %swap3A_138 = arith.constant 3 : index
    %swap3A_139 = arith.constant 0 : index
    %swap3A_140 = arith.constant 0 : index
    %swap3A_141 = vector.load %arg6[%swap3A_138, %swap3A_139, %swap3A_140] : memref<4x768x256xf32, #tpu.memory_space<vmem>>, vector<1x768x256xf32>
    %swap3A_142 = vector.shape_cast %swap3A_141 : vector<1x768x256xf32> to vector<768x256xf32>
    %swap3A_143 = vector.shape_cast %add3A_137 : vector<768x256xf32> to vector<1x768x256xf32>
    tpu.vector_store %arg6[%swap3A_138, %swap3A_139, %swap3A_140], %swap3A_143 {strides = array<i32>} : memref<4x768x256xf32, #tpu.memory_space<vmem>>, vector<1x768x256xf32>,
    return
  }
  func.func @transform_1(%arg0: i32, %arg1: memref<128xf32, #tpu.memory_space<smem>>, %arg2: memref<128xf32, #tpu.memory_space<smem>>) -> (i32, i32, i32) {
    %add3A = arith.constant 16 : i32
    %add3A_0 = arith.addi %arg0, %add3A : i32
    %c0_i32 = arith.constant 0 : i32
    %c0_i32_1 = arith.constant 0 : i32
    %c0_i32_2 = arith.constant 0 : i32
    return %add3A_0, %c0_i32, %c0_i32_1 : i32, i32, i32
  }
  func.func @transform_2(%arg0: i32, %arg1: memref<128xf32, #tpu.memory_space<smem>>, %arg2: memref<128xf32, #tpu.memory_space<smem>>) -> (i32, i32, i32) {
    %add3A = arith.constant 16 : i32
    %add3A_0 = arith.addi %arg0, %add3A : i32
    %c0_i32 = arith.constant 0 : i32
    %c0_i32_1 = arith.constant 0 : i32
    %c0_i32_2 = arith.constant 0 : i32
    return %add3A_0, %c0_i32, %c0_i32_1 : i32, i32, i32
  }
  func.func @transform_3(%arg0: i32, %arg1: memref<128xf32, #tpu.memory_space<smem>>, %arg2: memref<128xf32, #tpu.memory_space<smem>>) -> (i32, i32, i32) {
    %add3A = arith.constant 16 : i32
    %add3A_0 = arith.addi %arg0, %add3A : i32
    %c0_i32 = arith.constant 0 : i32
    %c0_i32_1 = arith.constant 0 : i32
    %c0_i32_2 = arith.constant 0 : i32
    return %add3A_0, %c0_i32, %c0_i32_1 : i32, i32, i32
  }
}

</mosaic_0001>

<sc_bundles>
// kernel: kernel.5.cloned.1.call-start
scs
__scs_entry_jumppad:
0x0: {  	(pc) =	sbr.rel $0x88, $3  }
0x1: {  	(tag) =	ssettag $0x0;
	lr =	simm.s32 $0x1  }
0x2: {  	[smem:$0x3F9C] =	sst lr;
	_ =	strace $0xD0000000  }
0x3: {  	_ = 	snop  }
0x4: {  	_ = 	snop  }
0x5: {  	_ = 	snop  }
0x6: {  	_ = 	snop  }
0x7: {  	_ = 	snop  }
__scs_overlays_trampoline_lowered:
0x8: {  	[smem:$0x3FAB] =	sst s0  }
0x9: {  	[smem:$0x3FAC] =	sst s1  }
0xa: {  	[smem:$0x3FAD] =	sst s2  }
0xb: {  	[smem:$0x3FAE] =	sst s3  }
0xc: {  	[smem:$0x3FAF] =	sst s4  }
0xd: {  	[smem:$0x3FB0] =	sst s5  }
0xe: {  	[smem:$0x3FB1] =	sst s6  }
0xf: {  	[smem:$0x3FB2] =	sst s7  }
0x10: {  	[smem:$0x3FB3] =	sst s8  }
0x11: {  	[smem:$0x3FB4] =	sst s9;
	s0 =	simm.s32 @!p0 $0x0  }
0x12: {  	s1 =	sld [smem:$0x3F9A];
	s0 =	simm.s32 @p0 $0x1  }
0x13: {  	[smem:$0x3FB5] =	sst s0;
	s0 =	simm.s32 @!p1 $0x0  }
0x14: {  	s2 =	sld [smem:$0x3F99];
	s0 =	simm.s32 @p1 $0x1  }
0x15: {  	[smem:$0x3FB6] =	sst s0;
	s0 =	simm.s32 @!p2 $0x0  }
0x16: {  	s3 =	sld [smem:$0x3FDB];
	s0 =	simm.s32 @p2 $0x1  }
0x17: {  	s4 =	simm.s32 $0x1BF5;
	[smem:$0x3FB8] =	sst s0  }
0x18: {  	s0 =	sld [smem:$0x3F9B];
	_ =	swait.ge [sflag:s4], $0x0  }
0x19: {  	s7 =	sld [smem:$0x3F9C]  }
0x1a: {  	s8 =	sadd.s32 $0xFFFFE003, lr  }
0x1b: {  	s9 =	sadd.s32 $0xFFFFFEF7, lr;
	s5 =	simm.s32 $0xFFFFFFFF;
	p2 =	slt.u32 s8, $0xFFFFF086  }
0x1c: {  	p1 =	slt.u32 s9, $0xF7A;
	s5 =	simm.s32 @!p2 $0x0  }
0x1d: {  	s5 =	simm.s32 @p1 $0x1;
	p0 =	seq.s32 s7, s2  }
0x1e: {  	s7 =	smul.u32 @!p0 $0xF7A, s2;
	p2 =	seq.s32 @!p0 s5, $0x0  }
0x1f: {  	s9 =	smul.u32 $0xF7A, s1;
	s8 =	simm.s32 @!p0 $0x1BF5;
	p2 =	por !p2, p0  }
0x20: {  	[sflag:s8] =	ssyncset.s32 @!p0 $0xFFFFF086;
	s6 =	sadd.s32 @!p0 s3, s7;
	s7 =	simm.s32 @!p0 $0x108  }
0x21: {  	s3 =	sadd.s32 s3, s9;
	s6 =	sadd.s32 @!p0 $0x88, s6;
	s7 =	simm.s32 @p2 $0x1082  }
0x22: {  	[simem:s7], [sflag:s8] =	dma.local @!p0 [hbm:s6], $0xF7A  }
0x23: {  	s9 =	sor.u32 $0xD0000000, s2;
	s6 =	simm.s32 $0x108;
	_ =	swait.ge @!p0 [sflag:s8], $0x0  }
0x24: {  	s3 =	sadd.s32 $0x88, s3;
	s6 =	simm.s32 @!p1 $0x1082;
	[sflag:s4] =	ssyncset.s32 $0xFFFFF086  }
0x25: {  	[simem:s6], [sflag:s4] =	dma.local [hbm:s3], $0xF7A  }
0x26: {  	[smem:$0x3F9C] =	sst s1;
	(tag) =	ssettag s2;
	_ =	strace s9  }
0x27: {  	s1 =	sld [smem:$0x3FAC]  }
0x28: {  	s2 =	sld [smem:$0x3FAD]  }
0x29: {  	s4 =	sld [smem:$0x3FAF]  }
0x2a: {  	p0 =	seq.s32 s5, $0x0;
	s5 =	sld [smem:$0x3FB0]  }
0x2b: {  	s6 =	sld [smem:$0x3FB1]  }
0x2c: {  	s7 =	sld [smem:$0x3FB2]  }
0x2d: {  	s3 =	simm.s32 $0x108;
	s8 =	sld [smem:$0x3FB3]  }
0x2e: {  	s3 =	simm.s32 @!p0 $0x1082;
	s9 =	sld [smem:$0x3FB4]  }
0x2f: {  	lr =	sadd.s32 s0, s3;
	s0 =	sld [smem:$0x3FAB]  }
0x30: {  	s3 =	sld [smem:$0x3FAE]  }
0x31: {  	[smem:$0x3FB7] =	sst s10  }
0x32: {  	s10 =	sld [smem:$0x3FB5];
	_ =	sdelay $0x3  }
0x33: {  	p0 =	seq.s32 s10, $0x1;
	s10 =	sld [smem:$0x3FB7];
	_ =	sdelay $0x3  }
0x34: {  	[smem:$0x3FB7] =	sst s10  }
0x35: {  	s10 =	sld [smem:$0x3FB6];
	_ =	sdelay $0x3  }
0x36: {  	p1 =	seq.s32 s10, $0x1;
	s10 =	sld [smem:$0x3FB7];
	_ =	sdelay $0x3  }
0x37: {  	[smem:$0x3FB7] =	sst s10  }
0x38: {  	s10 =	sld [smem:$0x3FB8]  }
0x39: {  	_ = 	snop;
	(pc) =	sbr.ind lr, $3  }
0x3a: {  	_ = 	snop  }
0x3b: {  	_ = 	snop  }
0x3c: {  	p2 =	seq.s32 s10, $0x1;
	s10 =	sld [smem:$0x3FB7]  }
0x3d: {  	_ =	shalt  }
0x3e: {  	_ =	shalt  }
0x3f: {  	_ =	shalt  }
0x40: {  	_ =	shalt  }
0x41: {  	_ =	shalt  }
0x42: {  	_ =	shalt  }
0x43: {  	_ =	shalt  }
0x44: {  	_ =	shalt  }
0x45: {  	_ =	shalt  }
0x46: {  	_ =	shalt  }
0x47: {  	_ =	shalt  }
0x48: {  	_ =	shalt  }
0x49: {  	_ =	shalt  }
0x4a: {  	_ =	shalt  }
0x4b: {  	_ =	shalt  }
0x4c: {  	_ =	shalt  }
0x4d: {  	_ =	shalt  }
0x4e: {  	_ =	shalt  }
0x4f: {  	_ =	shalt  }
0x50: {  	_ =	shalt  }
0x51: {  	_ =	shalt  }
0x52: {  	_ =	shalt  }
0x53: {  	_ =	shalt  }
0x54: {  	_ =	shalt  }
0x55: {  	_ =	shalt  }
0x56: {  	_ =	shalt  }
0x57: {  	_ =	shalt  }
0x58: {  	_ =	shalt  }
0x59: {  	_ =	shalt  }
0x5a: {  	_ =	shalt  }
0x5b: {  	_ =	shalt  }
0x5c: {  	_ =	shalt  }
0x5d: {  	_ =	shalt  }
0x5e: {  	_ =	shalt  }
0x5f: {  	_ =	shalt  }
0x60: {  	_ =	shalt  }
0x61: {  	_ =	shalt  }
0x62: {  	_ =	shalt  }
0x63: {  	_ =	shalt  }
0x64: {  	_ =	shalt  }
0x65: {  	_ =	shalt  }
0x66: {  	_ =	shalt  }
0x67: {  	_ =	shalt  }
0x68: {  	_ =	shalt  }
0x69: {  	_ =	shalt  }
0x6a: {  	_ =	shalt  }
0x6b: {  	_ =	shalt  }
0x6c: {  	_ =	shalt  }
0x6d: {  	_ =	shalt  }
0x6e: {  	_ =	shalt  }
0x6f: {  	_ =	shalt  }
0x70: {  	_ =	shalt  }
0x71: {  	_ =	shalt  }
0x72: {  	_ =	shalt  }
0x73: {  	_ =	shalt  }
0x74: {  	_ =	shalt  }
0x75: {  	_ =	shalt  }
0x76: {  	_ =	shalt  }
0x77: {  	_ =	shalt  }
0x78: {  	_ =	shalt  }
0x79: {  	_ =	shalt  }
0x7a: {  	_ =	shalt  }
0x7b: {  	_ =	shalt  }
0x7c: {  	_ =	shalt  }
0x7d: {  	_ =	shalt  }
0x7e: {  	_ =	shalt  }
0x7f: {  	_ =	shalt  }
0x80: {  	_ =	shalt  }
0x81: {  	_ =	shalt  }
0x82: {  	_ =	shalt  }
0x83: {  	_ =	shalt  }
0x84: {  	_ =	shalt  }
0x85: {  	_ =	shalt  }
0x86: {  	_ =	shalt  }
0x87: {  	_ =	shalt  }
.Lfunc_end0:
.L_simem_size_0:
called_computation_lowered:
.L_overlay_start_0:
0x88: {  	s2 =	sld [smem:$0x3FD9]  }
0x89: {  	s3 =	sld [smem:$0x3FFE];
	_ =	sdelay $0x1  }
0x8a: {  	s1 =	srdreg.scid  }
0x8b: {  	s0 =	sand.u32 $0x1, s1  }
0x8c: {  	s17 =	sshll.u32 s0, $0xA;
	s2 =	sadd.s32 s3, s2  }
0x8d: {  	s2 =	sadd.s32 s2, s17  }
0x8e: {  	[smem:$0x3FC3] =	sst s2  }
0x8f: {  	_ = 	snop  }
0x90: {  	s2 =	sld [smem:$0x3FC7]  }
0x91: {  	s18 =	sld [smem:$0x3FC6]  }
0x92: {  	s4 =	sld [smem:$0x3FC5];
	(tm) =	ssettm $0x1  }
0x93: {  	s5 =	sld [smem:$0x3FFB];
	_ =	sdelay $0x3  }
0x94: {  	_ =	strace s5  }
0x95: {  	s5 =	sld [smem:$0x3FFC];
	_ =	sdelay $0x3  }
0x96: {  	_ =	strace s5  }
0x97: {  	s5 =	sld [smem:$0x3FFD];
	_ =	sdelay $0x3  }
0x98: {  	_ =	strace s5  }
0x99: {  	_ =	strace $0x8FFFFFFF  }
0x9a: {  	s19 =	sld [smem:$0x3FDB];
	_ =	sdelay $0x1  }
0x9b: {  	s6 =	simm.s32 $_scs_section_size  }
0x9c: {  	s7 =	simm.s32 $_size__tile_overlayer_lowered;
	s8 =	simm.s32 $_tile_overlayer_lowered  }
0x9d: {  	s22 =	simm.s32 $0x1BFF;
	s21 =	sshll.u32 s8, $0x1;
	s5 =	sadd.s32 s6, s19  }
0x9e: {  	s9 =	simm.s32 $0x0;
	s20 =	sshll.u32 s7, $0x1;
	s7 =	sadd.s32 s21, s5  }
0x9f: {  	[timem:s9], [sflag:s22] =	dma.local [hbm:s7], s20  }
0xa0: {  	_ =	swait.ge [sflag:s22], s20  }
0xa1: {  	s6 =	ssub.s32 $0x0, s20;
	[sflag:s22] =	ssyncset.done $0x0  }
0xa2: {  	[sflag:s22] =	ssyncadd.s32 s6;
	_ =	sdelay $0x1  }
0xa3: {  	s23 =	simm.s32 $0x1B8B  }
0xa4: {  	_ =	swait.ge [sflag:s23], $0x1  }
0xa5: {  	[sflag:s23] =	ssyncset.done $0x0  }
0xa6: {  	s25 =	simm.s32 $0x1B8E;
	s24 =	sld [smem:$0x3FFE];
	[sflag:s23] =	ssyncadd.s32 $0xFFFFFFFF  }
0xa7: {  	s26 =	simm.s32 $execute0_lowered;
	[smem:$0x3FD2] =	sst s25  }
0xa8: {  	s7 =	sshll.u32 s26, $0x1;
	_ =	strace $0x80000046;
	[dreg:$0x1] =	wrdreg $0xFFFFFFFF  }
0xa9: {  	s28 =	simm.s32 $_size_execute0_lowered;
	s5 =	sadd.s32 s5, s7;
	[dreg:$0x0] =	wrdreg $0x0  }
0xaa: {  	s7 =	sshll.u32 s28, $0x1;
	[dreg:$0x2] =	wrdreg s5  }
0xab: {  	[dreg:$0x3] =	wrdreg s7  }
0xac: {  	[dreg:$0x4] =	wrdreg $0xC0  }
0xad: {  	_ =	task [dreg:s9], $0x5FFFF  }
0xae: {  	[dreg:$0x1] =	wrdreg $0xFFFFFFFF  }
0xaf: {  	[dreg:$0x0] =	wrdreg $0x60  }
0xb0: {  	[dreg:$0x2] =	wrdreg s2  }
0xb1: {  	[dreg:$0x3] =	wrdreg s18  }
0xb2: {  	[dreg:$0x4] =	wrdreg s4  }
0xb3: {  	[dreg:$0x5] =	wrdreg s24  }
0xb4: {  	[dreg:$0x6] =	wrdreg $0x9  }
0xb5: {  	_ =	task.clear_ibuf [dreg:s9], $0x7FFFF;
	_ =	strace $0x90000046  }
0xb6: {  	s29 =	simm.s32 $0x9;
	_ =	strace $0x80000048  }
0xb7: {  	_ =	swait.ge [sflag:s29], $0x1  }
0xb8: {  	[sflag:s29] =	ssyncadd.s32 $0xFFFFFFFF  }
0xb9: {  	_ =	strace $0x90000048  }
0xba: {  	_ =	sfence  }
0xbb: {  	s30 =	sld [smem:$0x0];
	_ =	sdelay $0x2  }
0xbc: {  	s31 =	sshll.u32 s1, $0xD;
	s1 =	sshrl.u32 s1, $0x2  }
0xbd: {  	s3 =	sand.u32 $0x4000, s31;
	s1 =	sadd.s32 s1, s30  }
0xbe: {  	s0 =	sor.u32 s3, s0;
	s1 =	sshll.u32 s1, $0x11  }
0xbf: {  	s0 =	sor.u32 s1, s0  }
0xc0: {  	s0 =	sadd.s32 $0x8F2B, s0  }
0xc1: {  	[sflag:s0] =	ssyncadd.remote.s32 $0x1  }
0xc2: {  	_ =	sfence.sel $0xFFFF  }
0xc3: {  	[dreg:$0x0] =	wrdreg $0xFFFFFFFF;
	(pc) =	sbr.abs _section_cstart, $3  }
0xc4: {  	[dreg:$0x1] =	wrdreg $0xFFFFFFFF  }
0xc5: {  	_ =	task.clear_ibuf [dreg:s9], $0x2FFFF;
	_ =	strace $0x9FFFFFFF  }
0xc6: {  	(tm) =	ssettm $0x7FFFFFFF  }
0xc7: {  	_ =	shalt  }
tec
execute0_lowered:
.L_overlay_start_1:
0x0: {  	(tag) =	ssettag $0x1  }
0x1: {  	s1 =	rddreg [dreg:$0x0]  }
0x2: {  	s2 =	rddreg [dreg:$0x1]  }
0x3: {  	s3 =	rddreg [dreg:$0x2];
	s0 =	srdreg.scid  }
0x4: {  	s6 =	rddreg [dreg:$0x3];
	s4 =	stileid.u32  }
0x5: {  	s10 =	simm.s32 $0x80;
	s11 =	simm.s32 $0x1;
	s7 =	sand.u32 $0x1, s0  }
.Ltmp0:
0x6: {  	s0 =	rddreg [dreg:$0x4];
	_ =	strace $0x80000047;
	(pc) =	sbr.rel .LBB2_1-.Ltmp0, $4  }
0x7: {  	s5 =	sadd.s32 $0x1200, s6;
	s31 =	sshll.u32 s4, $0x1;
	s8 =	ssub.s32 $0x2, s7  }
0x8: {  	s6 =	sadd.s32 $0x1400, s6;
	s12 =	sor.u32 s7, s31;
	s9 =	sshrl.u32 s8, $0x1  }
0x9: {  	p0 =	seq.s32 s12, $0x0;
	p1 =	sne.s32 s12, $0x1;
	s8 =	ssub.s32 s8, s9  }
0xa: {  	s9 =	simm.s32 $0x2;
	s7 =	smax.u32 s8, $0x1;
	s8 =	simm.s32 $0x0  }
.LBB2_4:
0xb: {  	[tilespmem:s8], [sflag:$0x2] =	stream.linear.gather [hbm4b:s1+s8], $0x80, $0x38;
	[tilespmem:$0x100] =	vst v63  }
0xc: {  	_ =	swait.ge [sflag:s9], $0x80  }
0xd: {  	[sflag:s9] =	ssyncset.done $0x0  }
0xe: {  	[sflag:s9] =	ssyncadd.s32 $0xFFFFFF80  }
0xf: {  	[tilespmem:s10], [sflag:$0x1] =	stream.indirect.gather [hbm4b:s13+s10], $0x1, s8, s10, $0xb8;
	[tilespmem:$0x100] =	vst v63  }
0x10: {  	_ =	swait.ge [sflag:s11], $0x80  }
0x11: {  	[sflag:s11] =	ssyncset.done $0x0  }
0x12: {  	[sflag:s11] =	ssyncadd.s32 $0xFFFFFF80  }
0x13: {  	[hbm4b:s12+s8] =	stream.linear.scatter [tilespmem:s10], [sflag:$0x2], $0x80, $0x38;
	[tilespmem:$0x100] =	vst v63  }
0x14: {  	_ =	swait.ge [sflag:s9], $0x80  }
0x15: {  	[sflag:s9] =	ssyncset.done $0x0  }
0x16: {  	[sflag:s9] =	ssyncadd.s32 $0xFFFFFF80  }
.LBB2_5:
0x17: {  	s7 =	sadd.s32 $0xFFFFFFFF, s7  }
0x18: {  	p2 =	sne.s32 s7, $0x0  }
.Ltmp1:
0x19: {  	_ = 	snop;
	(pc) =	sbr.rel @!p2 .LBB2_6-.Ltmp1, $1  }
0x1a: {  	_ =	sdelay $0x3  }
.LBB2_1:
.Ltmp2:
0x1b: {  	(pc) =	sbr.rel @p0 .LBB2_4-.Ltmp2, $2  }
0x1c: {  	_ =	sdelay $0x2  }
0x1d: {  	s13 =	smov.u32 s2;
	s12 =	smov.u32 s5  }
.Ltmp3:
0x1e: {  	(pc) =	sbr.rel @p1 .LBB2_5-.Ltmp3, $1  }
0x1f: {  	_ =	sdelay $0x3  }
.Ltmp4:
0x20: {  	(pc) =	sbr.rel .LBB2_4-.Ltmp4, $2  }
0x21: {  	_ =	sdelay $0x2  }
0x22: {  	s13 =	smov.u32 s3;
	s12 =	smov.u32 s6  }
.LBB2_6:
0x23: {  	_ =	sfence.sel $0x180000  }
0x24: {  	[bflag:$0x0] =	sbarrier.arrive $0xFFFF  }
0x25: {  	p0 =	sne.s32 s4, $0x0;
	_ =	strace $0x90000047  }
0x26: {  	s0 =	sadd.s32 @!p0 $0x100000, s0;
	[bflag:$0x2] =	sbarrier.arrive $0xFFFF  }
0x27: {  	[sflag:s0] =	ssyncadd.tile.s32 @!p0 $0x1;
	_ =	shalt  }
.Lfunc_end2:
_tile_overlayer_lowered:
.L_overlay_start_2:
0x28: {  	(tag) =	ssettag $0x2  }
0x29: {  	s0 =	rddreg [dreg:$0x0];
	s2 =	stileid.u32  }
0x2a: {  	s1 =	rddreg [dreg:$0x1];
	p0 =	sne.s32 s2, $0x0  }
0x2b: {  	s3 =	rddreg [dreg:$0x2];
	[bflag:$0x3] =	sbarrier.arrive $0xFFFF;
	s2 =	simm.s32 @!p0 $0x1C02  }
0x2c: {  	[timem:s3], [sflag:s2] =	dma.local @!p0 [hbm:s0], s1  }
0x2d: {  	s0 =	simm.s32 @!p0 $0x2  }
0x2e: {  	_ =	swait.ge @!p0 [sflag:s0], s1  }
0x2f: {  	s1 =	ssub.s32 @!p0 $0x0, s1;
	[sflag:s0] =	ssyncset.done @!p0 $0x0  }
0x30: {  	[sflag:s0] =	ssyncadd.s32 @!p0 s1  }
0x31: {  	[bflag:$0x3] =	sbarrier.arrive $0xFFFF  }
0x32: {  	_ =	shalt  }

</sc_bundles>
